<compile_context>
chip_gen: v7x
topology: tpu7x:2x2x1
jax: 0.10.2.dev20260603
libtpu: 0.0.44.dev20260713+nightly
codegen_flags: <defaults>
</compile_context>

<pallas_src>
import functools

import jax
import jax.numpy as jnp
from jax import lax
from jax.experimental import pallas as pl
from jax.experimental.pallas import tpu as pltpu
from jax.experimental.pallas import tpu_sc as plsc

_C = 32000
_N = 2048
_PAD = 0
_SMOOTHING = 0.1
_EPS = _SMOOTHING / (_C - 2)
_CONF = 1.0 - _SMOOTHING

_BR = 128
_L = 16
_NW = 32
_BPW = _N // _NW
_CW = 128
_CHUNKS = _C // _CW


def _sc_gather_chunks(pred2, target):
    mesh = plsc.VectorSubcoreMesh(core_axis_name="c", subcore_axis_name="s")

    @functools.partial(
        pl.kernel,
        mesh=mesh,
        out_type=jax.ShapeDtypeStruct((_N, _CW), jnp.float32),
        scratch_types=[
            pltpu.VMEM((_BPW,), jnp.int32),
            pltpu.VMEM((_BPW,), jnp.int32),
            pltpu.VMEM((_BPW, _CW), jnp.float32),
            pltpu.SemaphoreType.DMA,
        ],
    )
    def k(table_hbm, tgt_hbm, out_hbm, tgt_v, idx_v, rows_v, sem):
        wid = lax.axis_index("s") * 2 + lax.axis_index("c")
        base = wid * _BPW
        pltpu.sync_copy(tgt_hbm.at[pl.ds(base, _BPW)], tgt_v)
        for j in range(_BPW // _L):
            t_vec = tgt_v[pl.ds(j * _L, _L)]
            rows = base + j * _L + lax.iota(jnp.int32, _L)
            idx_v[pl.ds(j * _L, _L)] = rows * _CHUNKS + (t_vec >> 7)
        pltpu.async_copy(table_hbm.at[idx_v], rows_v, sem).wait()
        pltpu.sync_copy(rows_v, out_hbm.at[pl.ds(base, _BPW)])

    return k(pred2, target)


def _pass1_kernel(pred_ref, base_ref, lse_ref):
    x = pred_ref[...]
    s = jnp.sum(jnp.exp(x), axis=1, keepdims=True)
    p_sum = jnp.sum(x, axis=1, keepdims=True)
    lse = jnp.log(s)
    x_0 = x[:, 0:1]
    base_ref[...] = -_EPS * (p_sum - _C * lse - x_0 + lse)
    lse_ref[...] = lse


def _combine_kernel(base_ref, lse_ref, tgt_ref, xc_ref, out_ref):
    t = tgt_ref[...]
    xc = xc_ref[...]
    lse = lse_ref[...]
    base = base_ref[...]

    lane = jnp.bitwise_and(t, _CW - 1)
    lanes = lax.broadcasted_iota(jnp.int32, xc.shape, 1)
    x_t = jnp.sum(jnp.where(lanes == lane, xc, 0.0), axis=1, keepdims=True)

    row = base - (_CONF - _EPS) * (x_t - lse)
    row = jnp.where(t == _PAD, 0.0, row)
    out_ref[0, 0] = jnp.sum(row) * (1.0 / _N)


def kernel(pred, target):
    xchunks = _sc_gather_chunks(pred.reshape(_N * _CHUNKS, _CW), target)
    base, lse = pl.pallas_call(
        _pass1_kernel,
        grid=(_N // _BR,),
        in_specs=[pl.BlockSpec((_BR, _C), lambda i: (i, 0))],
        out_specs=[
            pl.BlockSpec((_BR, 1), lambda i: (i, 0)),
            pl.BlockSpec((_BR, 1), lambda i: (i, 0)),
        ],
        out_shape=[
            jax.ShapeDtypeStruct((_N, 1), jnp.float32),
            jax.ShapeDtypeStruct((_N, 1), jnp.float32),
        ],
        compiler_params=pltpu.CompilerParams(
            dimension_semantics=("arbitrary",),
        ),
    )(pred)
    out = pl.pallas_call(
        _combine_kernel,
        in_specs=[
            pl.BlockSpec((_N, 1), lambda: (0, 0)),
            pl.BlockSpec((_N, 1), lambda: (0, 0)),
            pl.BlockSpec((_N, 1), lambda: (0, 0)),
            pl.BlockSpec((_N, _CW), lambda: (0, 0)),
        ],
        out_specs=pl.BlockSpec(memory_space=pltpu.SMEM),
        out_shape=jax.ShapeDtypeStruct((1, 1), jnp.float32),
    )(base, lse, target.reshape(_N, 1), xchunks)
    return out[0, 0]

# --- scband reference (transcript-rebuilt; emitter-appended) ---
"""Pipeline reference for scband-label-smoothing-loss-27358941676000 (READ-ONLY COPY).

The authoritative reference and input builder live on the scoring server;
editing this copy changes nothing except your own understanding.
"""

import jax, jax.numpy as jnp
import numpy as np

CLASSES = 32000
PADDING_IDX = 0
SMOOTHING = 0.1
CONFIDENCE = 1.0 - SMOOTHING
N_TOKENS = 2048


def setup_inputs(seed: int = 0) -> dict:
    key = jax.random.key(seed)
    k1, k2 = jax.random.split(key)
    pred = jax.random.normal(k1, (N_TOKENS, CLASSES), dtype=jnp.float32)
    target = jax.random.randint(k2, (N_TOKENS,), 0, CLASSES, dtype=jnp.int32)
    return {"pred": pred, "target": target}


def reference(pred, target):
    # pred: [N, C] float32 logits; target: [N] int class indices
    logp = jax.nn.log_softmax(pred, axis=-1)
    # true_dist filled with smoothing / (classes - 2)
    true_dist = jnp.full(logp.shape, SMOOTHING / (CLASSES - 2), dtype=logp.dtype)
    # scatter confidence at target positions (dim=1 scatter)
    rows = jnp.arange(target.shape[0])
    true_dist = true_dist.at[rows, target].set(CONFIDENCE)
    # zero out the padding column
    true_dist = true_dist.at[:, PADDING_IDX].set(0.0)
    # zero rows where target == padding_idx (index_fill_ over nonzero mask)
    pad_mask = target == PADDING_IDX
    true_dist = jnp.where(pad_mask[:, None], 0.0, true_dist)
    return jnp.mean(jnp.sum(-true_dist * logp, axis=-1))

if __name__ == "__main__":
    import jax
    _d = setup_inputs()
    print(jax.jit(kernel)(*tuple(_d.values())))

</pallas_src>

<mosaic_0001>
#map = affine_map<(d0, d1) -> (0, 0)>
#map1 = affine_map<(d0, d1) -> (0)>
module attributes {stable_mosaic.version = 14 : i64} {
  func.func @k(%arg0: i32, %arg1: i32, %arg2: memref<512000x128xf32, #tpu.memory_space<hbm>>, %arg3: memref<2048xi32, #tpu.memory_space<hbm>>, %arg4: memref<2048x128xf32, #tpu.memory_space<hbm>>, %arg5: memref<64xi32, #tpu.memory_space<vmem>>, %arg6: memref<64xi32, #tpu.memory_space<vmem>>, %arg7: memref<64x128xf32, #tpu.memory_space<vmem>>, %arg8: memref<!tpu.dma_semaphore, #tpu.memory_space<semaphore_mem>>) attributes {dimension_semantics = [#tpu.dimension_semantics<core_parallel>, #tpu.dimension_semantics<subcore_parallel>], iteration_bounds = array<i64: 2, 16>, scalar_prefetch = 0 : i64, scratch_operands = 4 : i64, tpu.core_type = #tpu.core_type<sc_vector_subcore>, window_params = [{transform_indices = #map}, {transform_indices = #map1}, {transform_indices = #map}]} {
    %mul3A = arith.constant 2 : i32
    %mul3A_0 = arith.muli %arg1, %mul3A : i32
    %add3A = arith.addi %mul3A_0, %arg0 : i32
    %mul3A_1 = arith.constant 64 : i32
    %mul3A_2 = arith.muli %add3A, %mul3A_1 : i32
    "tpu.region"() ({
      %run_scoped3A = tpu.sem_alloc : memref<!tpu.dma_semaphore, #tpu.memory_space<semaphore_mem>>
      %dma_start3A_79 = tpu.memref_slice %arg3[%mul3A_2] : memref<2048xi32, #tpu.memory_space<hbm>> -> memref<64xi32, #tpu.memory_space<hbm>>
      %dma_start3A_80 = tpu.memref_slice %arg3[%mul3A_2] : memref<2048xi32, #tpu.memory_space<hbm>> -> memref<64xi32, #tpu.memory_space<hbm>>
      tpu.enqueue_dma source(%dma_start3A_80 : memref<64xi32, #tpu.memory_space<hbm>>) target(%arg5 : memref<64xi32, #tpu.memory_space<vmem>>) target_semaphore(%run_scoped3A : memref<!tpu.dma_semaphore, #tpu.memory_space<semaphore_mem>>)
      %dma_wait3A_81 = tpu.memref_slice %arg3[%mul3A_2] : memref<2048xi32, #tpu.memory_space<hbm>> -> memref<64xi32, #tpu.memory_space<hbm>>
      %dma_wait3A_82 = tpu.memref_slice %arg3[%mul3A_2] : memref<2048xi32, #tpu.memory_space<hbm>> -> memref<64xi32, #tpu.memory_space<hbm>>
      tpu.wait_dma2 semaphore(%run_scoped3A : memref<!tpu.dma_semaphore, #tpu.memory_space<semaphore_mem>>) src(%dma_wait3A_82 : memref<64xi32, #tpu.memory_space<hbm>>) dst(%arg5 : memref<64xi32, #tpu.memory_space<vmem>>)
      tpu.yield
    }) : () -> ()
    %get3A = arith.constant 0 : index
    %get3A_3 = tpu.vector_load %arg5[%get3A] {strides = array<i32>} : memref<64xi32, #tpu.memory_space<vmem>>, vector<16xi32>,
    %get3A_4 = vector.shape_cast %get3A_3 : vector<16xi32> to vector<16xi32>
    %add3A_5 = arith.constant 0 : i32
    %add3A_6 = arith.addi %mul3A_2, %add3A_5 : i32
    %iota3A = tpu.iota {dimensions = array<i32: 0>} : vector<16xi32>
    %add3A_7 = vector.broadcast %add3A_6 : i32 to vector<16xi32>
    %add3A_8 = arith.addi %add3A_7, %iota3A : vector<16xi32>
    %mul3A_9 = arith.constant 250 : i32
    %mul3A_10 = vector.broadcast %mul3A_9 : i32 to vector<16xi32>
    %mul3A_11 = arith.muli %add3A_8, %mul3A_10 : vector<16xi32>
    %shift_right_arithmetic3A = arith.constant 7 : i32
    %shift_right_arithmetic3A_12 = vector.broadcast %shift_right_arithmetic3A : i32 to vector<16xi32>
    %shift_right_arithmetic3A_13 = arith.shrsi %get3A_4, %shift_right_arithmetic3A_12 : vector<16xi32>
    %add3A_14 = arith.addi %mul3A_11, %shift_right_arithmetic3A_13 : vector<16xi32>
    %swap3A = arith.constant 0 : index
    %swap3A_15 = tpu.vector_load %arg6[%swap3A] {strides = array<i32>} : memref<64xi32, #tpu.memory_space<vmem>>, vector<16xi32>,
    %swap3A_16 = vector.shape_cast %swap3A_15 : vector<16xi32> to vector<16xi32>
    %swap3A_17 = vector.shape_cast %add3A_14 : vector<16xi32> to vector<16xi32>
    tpu.vector_store %arg6[%swap3A], %swap3A_17 {strides = array<i32>} : memref<64xi32, #tpu.memory_space<vmem>>, vector<16xi32>,
    %get3A_18 = arith.constant 16 : index
    %get3A_19 = tpu.vector_load %arg5[%get3A_18] {strides = array<i32>} : memref<64xi32, #tpu.memory_space<vmem>>, vector<16xi32>,
    %get3A_20 = vector.shape_cast %get3A_19 : vector<16xi32> to vector<16xi32>
    %add3A_21 = arith.constant 16 : i32
    %add3A_22 = arith.addi %mul3A_2, %add3A_21 : i32
    %iota3A_23 = tpu.iota {dimensions = array<i32: 0>} : vector<16xi32>
    %add3A_24 = vector.broadcast %add3A_22 : i32 to vector<16xi32>
    %add3A_25 = arith.addi %add3A_24, %iota3A_23 : vector<16xi32>
    %mul3A_26 = arith.constant 250 : i32
    %mul3A_27 = vector.broadcast %mul3A_26 : i32 to vector<16xi32>
    %mul3A_28 = arith.muli %add3A_25, %mul3A_27 : vector<16xi32>
    %shift_right_arithmetic3A_29 = arith.constant 7 : i32
    %shift_right_arithmetic3A_30 = vector.broadcast %shift_right_arithmetic3A_29 : i32 to vector<16xi32>
    %shift_right_arithmetic3A_31 = arith.shrsi %get3A_20, %shift_right_arithmetic3A_30 : vector<16xi32>
    %add3A_32 = arith.addi %mul3A_28, %shift_right_arithmetic3A_31 : vector<16xi32>
    %swap3A_33 = arith.constant 16 : index
    %swap3A_34 = tpu.vector_load %arg6[%swap3A_33] {strides = array<i32>} : memref<64xi32, #tpu.memory_space<vmem>>, vector<16xi32>,
    %swap3A_35 = vector.shape_cast %swap3A_34 : vector<16xi32> to vector<16xi32>
    %swap3A_36 = vector.shape_cast %add3A_32 : vector<16xi32> to vector<16xi32>
    tpu.vector_store %arg6[%swap3A_33], %swap3A_36 {strides = array<i32>} : memref<64xi32, #tpu.memory_space<vmem>>, vector<16xi32>,
    %get3A_37 = arith.constant 32 : index
    %get3A_38 = tpu.vector_load %arg5[%get3A_37] {strides = array<i32>} : memref<64xi32, #tpu.memory_space<vmem>>, vector<16xi32>,
    %get3A_39 = vector.shape_cast %get3A_38 : vector<16xi32> to vector<16xi32>
    %add3A_40 = arith.constant 32 : i32
    %add3A_41 = arith.addi %mul3A_2, %add3A_40 : i32
    %iota3A_42 = tpu.iota {dimensions = array<i32: 0>} : vector<16xi32>
    %add3A_43 = vector.broadcast %add3A_41 : i32 to vector<16xi32>
    %add3A_44 = arith.addi %add3A_43, %iota3A_42 : vector<16xi32>
    %mul3A_45 = arith.constant 250 : i32
    %mul3A_46 = vector.broadcast %mul3A_45 : i32 to vector<16xi32>
    %mul3A_47 = arith.muli %add3A_44, %mul3A_46 : vector<16xi32>
    %shift_right_arithmetic3A_48 = arith.constant 7 : i32
    %shift_right_arithmetic3A_49 = vector.broadcast %shift_right_arithmetic3A_48 : i32 to vector<16xi32>
    %shift_right_arithmetic3A_50 = arith.shrsi %get3A_39, %shift_right_arithmetic3A_49 : vector<16xi32>
    %add3A_51 = arith.addi %mul3A_47, %shift_right_arithmetic3A_50 : vector<16xi32>
    %swap3A_52 = arith.constant 32 : index
    %swap3A_53 = tpu.vector_load %arg6[%swap3A_52] {strides = array<i32>} : memref<64xi32, #tpu.memory_space<vmem>>, vector<16xi32>,
    %swap3A_54 = vector.shape_cast %swap3A_53 : vector<16xi32> to vector<16xi32>
    %swap3A_55 = vector.shape_cast %add3A_51 : vector<16xi32> to vector<16xi32>
    tpu.vector_store %arg6[%swap3A_52], %swap3A_55 {strides = array<i32>} : memref<64xi32, #tpu.memory_space<vmem>>, vector<16xi32>,
    %get3A_56 = arith.constant 48 : index
    %get3A_57 = tpu.vector_load %arg5[%get3A_56] {strides = array<i32>} : memref<64xi32, #tpu.memory_space<vmem>>, vector<16xi32>,
    %get3A_58 = vector.shape_cast %get3A_57 : vector<16xi32> to vector<16xi32>
    %add3A_59 = arith.constant 48 : i32
    %add3A_60 = arith.addi %mul3A_2, %add3A_59 : i32
    %iota3A_61 = tpu.iota {dimensions = array<i32: 0>} : vector<16xi32>
    %add3A_62 = vector.broadcast %add3A_60 : i32 to vector<16xi32>
    %add3A_63 = arith.addi %add3A_62, %iota3A_61 : vector<16xi32>
    %mul3A_64 = arith.constant 250 : i32
    %mul3A_65 = vector.broadcast %mul3A_64 : i32 to vector<16xi32>
    %mul3A_66 = arith.muli %add3A_63, %mul3A_65 : vector<16xi32>
    %shift_right_arithmetic3A_67 = arith.constant 7 : i32
    %shift_right_arithmetic3A_68 = vector.broadcast %shift_right_arithmetic3A_67 : i32 to vector<16xi32>
    %shift_right_arithmetic3A_69 = arith.shrsi %get3A_58, %shift_right_arithmetic3A_68 : vector<16xi32>
    %add3A_70 = arith.addi %mul3A_66, %shift_right_arithmetic3A_69 : vector<16xi32>
    %swap3A_71 = arith.constant 48 : index
    %swap3A_72 = tpu.vector_load %arg6[%swap3A_71] {strides = array<i32>} : memref<64xi32, #tpu.memory_space<vmem>>, vector<16xi32>,
    %swap3A_73 = vector.shape_cast %swap3A_72 : vector<16xi32> to vector<16xi32>
    %swap3A_74 = vector.shape_cast %add3A_70 : vector<16xi32> to vector<16xi32>
    tpu.vector_store %arg6[%swap3A_71], %swap3A_74 {strides = array<i32>} : memref<64xi32, #tpu.memory_space<vmem>>, vector<16xi32>,
    %dma_start3A = arith.constant 0 : i32
    %dma_start3A_75 = arith.constant 0 : i32
    %dma_start3A_76 = tpu.memref_slice %arg2[%dma_start3A, %dma_start3A_75] : memref<512000x128xf32, #tpu.memory_space<hbm>> -> memref<512000x128xf32, #tpu.memory_space<hbm>>
    tpu.enqueue_indirect_dma source(%dma_start3A_76 : memref<512000x128xf32, #tpu.memory_space<hbm>>) target(%arg7 : memref<64x128xf32, #tpu.memory_space<vmem>>) offsets(%arg6 : memref<64xi32, #tpu.memory_space<vmem>>) semaphore(%arg8 : memref<!tpu.dma_semaphore, #tpu.memory_space<semaphore_mem>>)
    %dma_wait3A = arith.constant 0 : i32
    %dma_wait3A_77 = arith.constant 0 : i32
    %dma_wait3A_78 = tpu.memref_slice %arg2[%dma_wait3A, %dma_wait3A_77] : memref<512000x128xf32, #tpu.memory_space<hbm>> -> memref<512000x128xf32, #tpu.memory_space<hbm>>
    tpu.wait_indirect_dma semaphore(%arg8 : memref<!tpu.dma_semaphore, #tpu.memory_space<semaphore_mem>>) src(%dma_wait3A_78 : memref<512000x128xf32, #tpu.memory_space<hbm>>) dst(%arg7 : memref<64x128xf32, #tpu.memory_space<vmem>>)
    "tpu.region"() ({
      %run_scoped3A = tpu.sem_alloc : memref<!tpu.dma_semaphore, #tpu.memory_space<semaphore_mem>>
      %dma_start3A_79 = arith.constant 0 : i32
      %dma_start3A_80 = tpu.memref_slice %arg4[%mul3A_2, %dma_start3A_79] : memref<2048x128xf32, #tpu.memory_space<hbm>> -> memref<64x128xf32, #tpu.memory_space<hbm>>
      %dma_start3A_81 = arith.constant 0 : i32
      %dma_start3A_82 = tpu.memref_slice %arg4[%mul3A_2, %dma_start3A_81] : memref<2048x128xf32, #tpu.memory_space<hbm>> -> memref<64x128xf32, #tpu.memory_space<hbm>>
      tpu.enqueue_dma source(%arg7 : memref<64x128xf32, #tpu.memory_space<vmem>>) target(%dma_start3A_82 : memref<64x128xf32, #tpu.memory_space<hbm>>) target_semaphore(%run_scoped3A : memref<!tpu.dma_semaphore, #tpu.memory_space<semaphore_mem>>)
      %dma_wait3A_83 = arith.constant 0 : i32
      %dma_wait3A_84 = tpu.memref_slice %arg4[%mul3A_2, %dma_wait3A_83] : memref<2048x128xf32, #tpu.memory_space<hbm>> -> memref<64x128xf32, #tpu.memory_space<hbm>>
      %dma_wait3A_85 = arith.constant 0 : i32
      %dma_wait3A_86 = tpu.memref_slice %arg4[%mul3A_2, %dma_wait3A_85] : memref<2048x128xf32, #tpu.memory_space<hbm>> -> memref<64x128xf32, #tpu.memory_space<hbm>>
      tpu.wait_dma2 semaphore(%run_scoped3A : memref<!tpu.dma_semaphore, #tpu.memory_space<semaphore_mem>>) src(%arg7 : memref<64x128xf32, #tpu.memory_space<vmem>>) dst(%dma_wait3A_86 : memref<64x128xf32, #tpu.memory_space<hbm>>)
      tpu.yield
    }) : () -> ()
    return
  }
}

module attributes {stable_mosaic.version = 14 : i64} {
  func.func @_combine_kernel(%arg0: memref<2048x1xf32, #tpu.memory_space<vmem>>, %arg1: memref<2048x1xf32, #tpu.memory_space<vmem>>, %arg2: memref<2048x1xi32, #tpu.memory_space<vmem>>, %arg3: memref<2048x128xf32, #tpu.memory_space<vmem>>, %arg4: memref<1x1xf32, #tpu.memory_space<smem>>) attributes {dimension_semantics = [], scalar_prefetch = 0 : i64, scratch_operands = 0 : i64, tpu.core_type = #tpu.core_type<tc>} {
    %get3A = arith.constant 0 : index
    %get3A_0 = arith.constant 0 : index
    %get3A_1 = vector.load %arg2[%get3A, %get3A_0] : memref<2048x1xi32, #tpu.memory_space<vmem>>, vector<2048x1xi32>
    %get3A_2 = arith.constant 0 : index
    %get3A_3 = arith.constant 0 : index
    %get3A_4 = vector.load %arg3[%get3A_2, %get3A_3] : memref<2048x128xf32, #tpu.memory_space<vmem>>, vector<2048x128xf32>
    %get3A_5 = arith.constant 0 : index
    %get3A_6 = arith.constant 0 : index
    %get3A_7 = vector.load %arg1[%get3A_5, %get3A_6] : memref<2048x1xf32, #tpu.memory_space<vmem>>, vector<2048x1xf32>
    %get3A_8 = arith.constant 0 : index
    %get3A_9 = arith.constant 0 : index
    %get3A_10 = vector.load %arg0[%get3A_8, %get3A_9] : memref<2048x1xf32, #tpu.memory_space<vmem>>, vector<2048x1xf32>
    %and3A = arith.constant 127 : i32
    %and3A_11 = vector.broadcast %and3A : i32 to vector<2048x1xi32>
    %and3A_12 = arith.andi %get3A_1, %and3A_11 : vector<2048x1xi32>
    %iota3A = tpu.iota {dimensions = array<i32: 1>} : vector<2048x128xi32>
    %eq3A = vector.broadcast %and3A_12 : vector<2048x1xi32> to vector<2048x128xi32>
    %eq3A_13 = arith.cmpi eq, %iota3A, %eq3A : vector<2048x128xi32>
    %jit3A = arith.constant 0.000000e+00 : f32
    %broadcast_in_dim3A = vector.broadcast %jit3A : f32 to vector<2048x128xf32>
    %select_n3A = arith.select %eq3A_13, %get3A_4, %broadcast_in_dim3A : vector<2048x128xi1>, vector<2048x128xf32>
    %reduce_sum3A = arith.constant dense<0.000000e+00> : vector<2048xf32>
    %reduce_sum3A_14 = vector.multi_reduction <add>, %select_n3A, %reduce_sum3A [1] : vector<2048x128xf32> to vector<2048xf32>
    %broadcast_in_dim3A_15 = vector.shape_cast %reduce_sum3A_14 : vector<2048xf32> to vector<2048x1xf32>
    %sub3A = arith.subf %broadcast_in_dim3A_15, %get3A_7 : vector<2048x1xf32>
    %mul3A = arith.constant 0.899996876 : f32
    %mul3A_16 = vector.broadcast %mul3A : f32 to vector<2048x1xf32>
    %mul3A_17 = arith.mulf %mul3A_16, %sub3A : vector<2048x1xf32>
    %sub3A_18 = arith.subf %get3A_10, %mul3A_17 : vector<2048x1xf32>
    %eq3A_19 = arith.constant 0 : i32
    %eq3A_20 = vector.broadcast %eq3A_19 : i32 to vector<2048x1xi32>
    %eq3A_21 = arith.cmpi eq, %get3A_1, %eq3A_20 : vector<2048x1xi32>
    %jit3A_22 = arith.constant 0.000000e+00 : f32
    %broadcast_in_dim3A_23 = vector.broadcast %jit3A_22 : f32 to vector<2048x1xf32>
    %select_n3A_24 = arith.select %eq3A_21, %broadcast_in_dim3A_23, %sub3A_18 : vector<2048x1xi1>, vector<2048x1xf32>
    %reduce_sum3A_25 = vector.shape_cast %select_n3A_24 : vector<2048x1xf32> to vector<1x2048x1xf32>
    %reduce_sum3A_26 = arith.constant dense<0.000000e+00> : vector<1xf32>
    %reduce_sum3A_27 = vector.multi_reduction <add>, %reduce_sum3A_25, %reduce_sum3A_26 [1, 2] : vector<1x2048x1xf32> to vector<1xf32>
    %reduce_sum3A_28 = vector.shape_cast %reduce_sum3A_27 : vector<1xf32> to vector<1x1x1xf32>
    %reduce_sum3A_29 = vector.extract %reduce_sum3A_28[0, 0, 0] : f32 from vector<1x1x1xf32>
    %mul3A_30 = arith.constant 4.8828125E-4 : f32
    %mul3A_31 = arith.mulf %reduce_sum3A_29, %mul3A_30 : f32
    %swap3A = arith.constant 0 : index
    %swap3A_32 = arith.constant 0 : index
    %swap3A_33 = memref.load %arg4[%swap3A, %swap3A_32] : memref<1x1xf32, #tpu.memory_space<smem>>
    memref.store %mul3A_31, %arg4[%swap3A, %swap3A_32] : memref<1x1xf32, #tpu.memory_space<smem>>
    return
  }
}

module attributes {stable_mosaic.version = 14 : i64} {
  func.func @_pass1_kernel(%arg0: i32, %arg1: memref<128x32000xf32, #tpu.memory_space<vmem>>, %arg2: memref<128x1xf32, #tpu.memory_space<vmem>>, %arg3: memref<128x1xf32, #tpu.memory_space<vmem>>) attributes {dimension_semantics = [#tpu.dimension_semantics<arbitrary>], iteration_bounds = array<i64: 16>, scalar_prefetch = 0 : i64, scratch_operands = 0 : i64, tpu.core_type = #tpu.core_type<tc>, window_params = [{transform_indices = @transform_0, window_bounds = array<i64: 128, 32000>}, {transform_indices = @transform_1, window_bounds = array<i64: 128, 1>}, {transform_indices = @transform_2, window_bounds = array<i64: 128, 1>}]} {
    %get3A = arith.constant 0 : index
    %get3A_0 = arith.constant 0 : index
    %get3A_1 = vector.load %arg1[%get3A, %get3A_0] : memref<128x32000xf32, #tpu.memory_space<vmem>>, vector<128x32000xf32>
    %exp3A = math.exp %get3A_1 : vector<128x32000xf32>
    %reduce_sum3A = arith.constant dense<0.000000e+00> : vector<128xf32>
    %reduce_sum3A_2 = vector.multi_reduction <add>, %exp3A, %reduce_sum3A [1] : vector<128x32000xf32> to vector<128xf32>
    %broadcast_in_dim3A = vector.shape_cast %reduce_sum3A_2 : vector<128xf32> to vector<128x1xf32>
    %reduce_sum3A_3 = arith.constant dense<0.000000e+00> : vector<128xf32>
    %reduce_sum3A_4 = vector.multi_reduction <add>, %get3A_1, %reduce_sum3A_3 [1] : vector<128x32000xf32> to vector<128xf32>
    %broadcast_in_dim3A_5 = vector.shape_cast %reduce_sum3A_4 : vector<128xf32> to vector<128x1xf32>
    %log3A = math.log %broadcast_in_dim3A : vector<128x1xf32>
    %slice3A = vector.extract_strided_slice %get3A_1 {offsets = [0, 0], sizes = [128, 1], strides = [1, 1]} : vector<128x32000xf32> to vector<128x1xf32>
    %mul3A = arith.constant 3.200000e+04 : f32
    %mul3A_6 = vector.broadcast %mul3A : f32 to vector<128x1xf32>
    %mul3A_7 = arith.mulf %mul3A_6, %log3A : vector<128x1xf32>
    %sub3A = arith.subf %broadcast_in_dim3A_5, %mul3A_7 : vector<128x1xf32>
    %sub3A_8 = arith.subf %sub3A, %slice3A : vector<128x1xf32>
    %add3A = arith.addf %sub3A_8, %log3A : vector<128x1xf32>
    %mul3A_9 = arith.constant -3.12519524E-6 : f32
    %mul3A_10 = vector.broadcast %mul3A_9 : f32 to vector<128x1xf32>
    %mul3A_11 = arith.mulf %mul3A_10, %add3A : vector<128x1xf32>
    %swap3A = arith.constant 0 : index
    %swap3A_12 = arith.constant 0 : index
    %swap3A_13 = vector.load %arg2[%swap3A, %swap3A_12] : memref<128x1xf32, #tpu.memory_space<vmem>>, vector<128x1xf32>
    tpu.vector_store %arg2[%swap3A, %swap3A_12], %mul3A_11 {strides = array<i32>} : memref<128x1xf32, #tpu.memory_space<vmem>>, vector<128x1xf32>,
    %swap3A_14 = arith.constant 0 : index
    %swap3A_15 = arith.constant 0 : index
    %swap3A_16 = vector.load %arg3[%swap3A_14, %swap3A_15] : memref<128x1xf32, #tpu.memory_space<vmem>>, vector<128x1xf32>
    tpu.vector_store %arg3[%swap3A_14, %swap3A_15], %log3A {strides = array<i32>} : memref<128x1xf32, #tpu.memory_space<vmem>>, vector<128x1xf32>,
    return
  }
  func.func @transform_0(%arg0: i32) -> (i32, i32) {
    %c0_i32 = arith.constant 0 : i32
    %c0_i32_0 = arith.constant 0 : i32
    return %arg0, %c0_i32 : i32, i32
  }
  func.func @transform_1(%arg0: i32) -> (i32, i32) {
    %c0_i32 = arith.constant 0 : i32
    %c0_i32_0 = arith.constant 0 : i32
    return %arg0, %c0_i32 : i32, i32
  }
  func.func @transform_2(%arg0: i32) -> (i32, i32) {
    %c0_i32 = arith.constant 0 : i32
    %c0_i32_0 = arith.constant 0 : i32
    return %arg0, %c0_i32 : i32, i32
  }
}

</mosaic_0001>

<sc_bundles>
// kernel: kernel.5.cloned.1.call-start
scs
__scs_entry_jumppad:
0x0: {  	(pc) =	sbr.rel $0x88, $3  }
0x1: {  	(tag) =	ssettag $0x0;
	lr =	simm.s32 $0x1  }
0x2: {  	[smem:$0x3F9F] =	sst lr;
	_ =	strace $0xD0000000  }
0x3: {  	_ = 	snop  }
0x4: {  	_ = 	snop  }
0x5: {  	_ = 	snop  }
0x6: {  	_ = 	snop  }
0x7: {  	_ = 	snop  }
__scs_overlays_trampoline_lowered:
0x8: {  	[smem:$0x3FAE] =	sst s0  }
0x9: {  	[smem:$0x3FAF] =	sst s1  }
0xa: {  	[smem:$0x3FB0] =	sst s2  }
0xb: {  	[smem:$0x3FB1] =	sst s3  }
0xc: {  	[smem:$0x3FB2] =	sst s4  }
0xd: {  	[smem:$0x3FB3] =	sst s5  }
0xe: {  	[smem:$0x3FB4] =	sst s6  }
0xf: {  	[smem:$0x3FB5] =	sst s7  }
0x10: {  	[smem:$0x3FB6] =	sst s8  }
0x11: {  	[smem:$0x3FB7] =	sst s9;
	s0 =	simm.s32 @!p0 $0x0  }
0x12: {  	s1 =	sld [smem:$0x3F9D];
	s0 =	simm.s32 @p0 $0x1  }
0x13: {  	[smem:$0x3FB8] =	sst s0;
	s0 =	simm.s32 @!p1 $0x0  }
0x14: {  	s2 =	sld [smem:$0x3F9C];
	s0 =	simm.s32 @p1 $0x1  }
0x15: {  	[smem:$0x3FB9] =	sst s0;
	s0 =	simm.s32 @!p2 $0x0  }
0x16: {  	s3 =	sld [smem:$0x3FDB];
	s0 =	simm.s32 @p2 $0x1  }
0x17: {  	s4 =	simm.s32 $0x1BF5;
	[smem:$0x3FBB] =	sst s0  }
0x18: {  	s0 =	sld [smem:$0x3F9E];
	_ =	swait.ge [sflag:s4], $0x0  }
0x19: {  	s7 =	sld [smem:$0x3F9F]  }
0x1a: {  	s8 =	sadd.s32 $0xFFFFE003, lr  }
0x1b: {  	s9 =	sadd.s32 $0xFFFFFEF7, lr;
	s5 =	simm.s32 $0xFFFFFFFF;
	p2 =	slt.u32 s8, $0xFFFFF086  }
0x1c: {  	p1 =	slt.u32 s9, $0xF7A;
	s5 =	simm.s32 @!p2 $0x0  }
0x1d: {  	s5 =	simm.s32 @p1 $0x1;
	p0 =	seq.s32 s7, s2  }
0x1e: {  	s7 =	smul.u32 @!p0 $0xF7A, s2;
	p2 =	seq.s32 @!p0 s5, $0x0  }
0x1f: {  	s9 =	smul.u32 $0xF7A, s1;
	s8 =	simm.s32 @!p0 $0x1BF5;
	p2 =	por !p2, p0  }
0x20: {  	[sflag:s8] =	ssyncset.s32 @!p0 $0xFFFFF086;
	s6 =	sadd.s32 @!p0 s3, s7;
	s7 =	simm.s32 @!p0 $0x108  }
0x21: {  	s3 =	sadd.s32 s3, s9;
	s6 =	sadd.s32 @!p0 $0x88, s6;
	s7 =	simm.s32 @p2 $0x1082  }
0x22: {  	[simem:s7], [sflag:s8] =	dma.local @!p0 [hbm:s6], $0xF7A  }
0x23: {  	s9 =	sor.u32 $0xD0000000, s2;
	s6 =	simm.s32 $0x108;
	_ =	swait.ge @!p0 [sflag:s8], $0x0  }
0x24: {  	s3 =	sadd.s32 $0x88, s3;
	s6 =	simm.s32 @!p1 $0x1082;
	[sflag:s4] =	ssyncset.s32 $0xFFFFF086  }
0x25: {  	[simem:s6], [sflag:s4] =	dma.local [hbm:s3], $0xF7A  }
0x26: {  	[smem:$0x3F9F] =	sst s1;
	(tag) =	ssettag s2;
	_ =	strace s9  }
0x27: {  	s1 =	sld [smem:$0x3FAF]  }
0x28: {  	s2 =	sld [smem:$0x3FB0]  }
0x29: {  	s4 =	sld [smem:$0x3FB2]  }
0x2a: {  	p0 =	seq.s32 s5, $0x0;
	s5 =	sld [smem:$0x3FB3]  }
0x2b: {  	s6 =	sld [smem:$0x3FB4]  }
0x2c: {  	s7 =	sld [smem:$0x3FB5]  }
0x2d: {  	s3 =	simm.s32 $0x108;
	s8 =	sld [smem:$0x3FB6]  }
0x2e: {  	s3 =	simm.s32 @!p0 $0x1082;
	s9 =	sld [smem:$0x3FB7]  }
0x2f: {  	lr =	sadd.s32 s0, s3;
	s0 =	sld [smem:$0x3FAE]  }
0x30: {  	s3 =	sld [smem:$0x3FB1]  }
0x31: {  	[smem:$0x3FBA] =	sst s10  }
0x32: {  	s10 =	sld [smem:$0x3FB8];
	_ =	sdelay $0x3  }
0x33: {  	p0 =	seq.s32 s10, $0x1;
	s10 =	sld [smem:$0x3FBA];
	_ =	sdelay $0x3  }
0x34: {  	[smem:$0x3FBA] =	sst s10  }
0x35: {  	s10 =	sld [smem:$0x3FB9];
	_ =	sdelay $0x3  }
0x36: {  	p1 =	seq.s32 s10, $0x1;
	s10 =	sld [smem:$0x3FBA];
	_ =	sdelay $0x3  }
0x37: {  	[smem:$0x3FBA] =	sst s10  }
0x38: {  	s10 =	sld [smem:$0x3FBB]  }
0x39: {  	_ = 	snop;
	(pc) =	sbr.ind lr, $3  }
0x3a: {  	_ = 	snop  }
0x3b: {  	_ = 	snop  }
0x3c: {  	p2 =	seq.s32 s10, $0x1;
	s10 =	sld [smem:$0x3FBA]  }
0x3d: {  	_ =	shalt  }
0x3e: {  	_ =	shalt  }
0x3f: {  	_ =	shalt  }
0x40: {  	_ =	shalt  }
0x41: {  	_ =	shalt  }
0x42: {  	_ =	shalt  }
0x43: {  	_ =	shalt  }
0x44: {  	_ =	shalt  }
0x45: {  	_ =	shalt  }
0x46: {  	_ =	shalt  }
0x47: {  	_ =	shalt  }
0x48: {  	_ =	shalt  }
0x49: {  	_ =	shalt  }
0x4a: {  	_ =	shalt  }
0x4b: {  	_ =	shalt  }
0x4c: {  	_ =	shalt  }
0x4d: {  	_ =	shalt  }
0x4e: {  	_ =	shalt  }
0x4f: {  	_ =	shalt  }
0x50: {  	_ =	shalt  }
0x51: {  	_ =	shalt  }
0x52: {  	_ =	shalt  }
0x53: {  	_ =	shalt  }
0x54: {  	_ =	shalt  }
0x55: {  	_ =	shalt  }
0x56: {  	_ =	shalt  }
0x57: {  	_ =	shalt  }
0x58: {  	_ =	shalt  }
0x59: {  	_ =	shalt  }
0x5a: {  	_ =	shalt  }
0x5b: {  	_ =	shalt  }
0x5c: {  	_ =	shalt  }
0x5d: {  	_ =	shalt  }
0x5e: {  	_ =	shalt  }
0x5f: {  	_ =	shalt  }
0x60: {  	_ =	shalt  }
0x61: {  	_ =	shalt  }
0x62: {  	_ =	shalt  }
0x63: {  	_ =	shalt  }
0x64: {  	_ =	shalt  }
0x65: {  	_ =	shalt  }
0x66: {  	_ =	shalt  }
0x67: {  	_ =	shalt  }
0x68: {  	_ =	shalt  }
0x69: {  	_ =	shalt  }
0x6a: {  	_ =	shalt  }
0x6b: {  	_ =	shalt  }
0x6c: {  	_ =	shalt  }
0x6d: {  	_ =	shalt  }
0x6e: {  	_ =	shalt  }
0x6f: {  	_ =	shalt  }
0x70: {  	_ =	shalt  }
0x71: {  	_ =	shalt  }
0x72: {  	_ =	shalt  }
0x73: {  	_ =	shalt  }
0x74: {  	_ =	shalt  }
0x75: {  	_ =	shalt  }
0x76: {  	_ =	shalt  }
0x77: {  	_ =	shalt  }
0x78: {  	_ =	shalt  }
0x79: {  	_ =	shalt  }
0x7a: {  	_ =	shalt  }
0x7b: {  	_ =	shalt  }
0x7c: {  	_ =	shalt  }
0x7d: {  	_ =	shalt  }
0x7e: {  	_ =	shalt  }
0x7f: {  	_ =	shalt  }
0x80: {  	_ =	shalt  }
0x81: {  	_ =	shalt  }
0x82: {  	_ =	shalt  }
0x83: {  	_ =	shalt  }
0x84: {  	_ =	shalt  }
0x85: {  	_ =	shalt  }
0x86: {  	_ =	shalt  }
0x87: {  	_ =	shalt  }
.Lfunc_end0:
.L_simem_size_0:
called_computation_lowered:
.L_overlay_start_0:
0x88: {  	s2 =	sld [smem:$0x3FD9]  }
0x89: {  	s3 =	sld [smem:$0x3FFE];
	_ =	sdelay $0x1  }
0x8a: {  	s1 =	srdreg.scid  }
0x8b: {  	s0 =	sand.u32 $0x1, s1  }
0x8c: {  	s17 =	sshll.u32 s0, $0xA;
	s2 =	sadd.s32 s3, s2  }
0x8d: {  	s2 =	sadd.s32 s2, s17  }
0x8e: {  	[smem:$0x3FC6] =	sst s2  }
0x8f: {  	_ = 	snop  }
0x90: {  	s2 =	sld [smem:$0x3FC8];
	(tm) =	ssettm $0x1  }
0x91: {  	s18 =	sld [smem:$0x3FFB];
	_ =	sdelay $0x3  }
0x92: {  	_ =	strace s18  }
0x93: {  	s3 =	sld [smem:$0x3FFC];
	_ =	sdelay $0x3  }
0x94: {  	_ =	strace s3  }
0x95: {  	s3 =	sld [smem:$0x3FFD];
	_ =	sdelay $0x3  }
0x96: {  	_ =	strace s3  }
0x97: {  	_ =	strace $0x8FFFFFFF  }
0x98: {  	s19 =	sld [smem:$0x3FDB];
	_ =	sdelay $0x1  }
0x99: {  	s4 =	simm.s32 $_scs_section_size  }
0x9a: {  	s5 =	simm.s32 $_size__tile_overlayer_lowered;
	s6 =	simm.s32 $_tile_overlayer_lowered  }
0x9b: {  	s22 =	simm.s32 $0x1BFF;
	s21 =	sshll.u32 s6, $0x1;
	s3 =	sadd.s32 s4, s19  }
0x9c: {  	s7 =	simm.s32 $0x0;
	s20 =	sshll.u32 s5, $0x1;
	s5 =	sadd.s32 s21, s3  }
0x9d: {  	[timem:s7], [sflag:s22] =	dma.local [hbm:s5], s20  }
0x9e: {  	_ =	swait.ge [sflag:s22], s20  }
0x9f: {  	s4 =	ssub.s32 $0x0, s20;
	[sflag:s22] =	ssyncset.done $0x0  }
0xa0: {  	[sflag:s22] =	ssyncadd.s32 s4;
	_ =	sdelay $0x1  }
0xa1: {  	s23 =	simm.s32 $0x1B8B  }
0xa2: {  	_ =	swait.ge [sflag:s23], $0x1  }
0xa3: {  	[sflag:s23] =	ssyncset.done $0x0  }
0xa4: {  	s25 =	simm.s32 $0x1B8E;
	s24 =	sld [smem:$0x3FFE];
	[sflag:s23] =	ssyncadd.s32 $0xFFFFFFFF  }
0xa5: {  	s26 =	simm.s32 $execute0_lowered;
	[smem:$0x3FD2] =	sst s25  }
0xa6: {  	s5 =	sshll.u32 s26, $0x1;
	_ =	strace $0x80000046;
	[dreg:$0x1] =	wrdreg $0xFFFFFFFF  }
0xa7: {  	s28 =	simm.s32 $_size_execute0_lowered;
	s3 =	sadd.s32 s3, s5;
	[dreg:$0x0] =	wrdreg $0x0  }
0xa8: {  	s5 =	sshll.u32 s28, $0x1;
	[dreg:$0x2] =	wrdreg s3  }
0xa9: {  	[dreg:$0x3] =	wrdreg s5  }
0xaa: {  	[dreg:$0x4] =	wrdreg $0xC0  }
0xab: {  	_ =	task [dreg:s7], $0x5FFFF  }
0xac: {  	[dreg:$0x1] =	wrdreg $0xFFFFFFFF  }
0xad: {  	[dreg:$0x0] =	wrdreg $0x60  }
0xae: {  	[dreg:$0x2] =	wrdreg s24  }
0xaf: {  	[dreg:$0x3] =	wrdreg s2  }
0xb0: {  	[dreg:$0x4] =	wrdreg $0x9  }
0xb1: {  	_ =	task.clear_ibuf [dreg:s7], $0x5FFFF;
	_ =	strace $0x90000046  }
0xb2: {  	s29 =	simm.s32 $0x9;
	_ =	strace $0x80000048  }
0xb3: {  	_ =	swait.ge [sflag:s29], $0x1  }
0xb4: {  	[sflag:s29] =	ssyncadd.s32 $0xFFFFFFFF  }
0xb5: {  	_ =	strace $0x90000048  }
0xb6: {  	_ =	sfence  }
0xb7: {  	s30 =	sld [smem:$0x0];
	_ =	sdelay $0x2  }
0xb8: {  	s31 =	sshll.u32 s1, $0xD;
	s1 =	sshrl.u32 s1, $0x2  }
0xb9: {  	s3 =	sand.u32 $0x4000, s31;
	s1 =	sadd.s32 s1, s30  }
0xba: {  	s0 =	sor.u32 s3, s0;
	s1 =	sshll.u32 s1, $0x11  }
0xbb: {  	s0 =	sor.u32 s1, s0  }
0xbc: {  	s0 =	sadd.s32 $0x8F2B, s0  }
0xbd: {  	[sflag:s0] =	ssyncadd.remote.s32 $0x1  }
0xbe: {  	_ =	sfence.sel $0xFFFF  }
0xbf: {  	[dreg:$0x0] =	wrdreg $0xFFFFFFFF;
	(pc) =	sbr.abs _section_cstart, $3  }
0xc0: {  	[dreg:$0x1] =	wrdreg $0xFFFFFFFF  }
0xc1: {  	_ =	task.clear_ibuf [dreg:s7], $0x2FFFF;
	_ =	strace $0x9FFFFFFF  }
0xc2: {  	(tm) =	ssettm $0x7FFFFFFF  }
0xc3: {  	_ =	shalt  }
tec
execute0_lowered:
.L_overlay_start_1:
0x0: {  	(tag) =	ssettag $0x1  }
0x1: {  	s1 =	srdreg.scid  }
0x2: {  	s10 =	rddreg [dreg:$0x0];
	s0 =	stileid.u32;
	s5 =	sand.u32 $0x1, s1  }
0x3: {  	s3 =	rddreg [dreg:$0x1];
	s4 =	sshll.u32 s0, $0x7;
	s6 =	sshll.u32 s5, $0x6  }
0x4: {  	s2 =	simm.s32 $0x0;
	s1 =	rddreg [dreg:$0x2];
	s11 =	sor.u32 s6, s4  }
0x5: {  	[smem:$0x7FF] =	sst s2;
	s4 =	sshrl.u32 s11, $0x3  }
0x6: {  	_ =	strace $0x80000047;
	s4 =	sadd.s32 s3, s4;
	s3 =	simm.s32 $0x2  }
0x7: {  	[tilespmem:s2], [sflag:$0x2] =	stream.linear.gather [hbm4b:s4+s2], $0x40, $0x38;
	[tilespmem:$0x2100] =	vst v63  }
0x8: {  	_ =	swait.ge [sflag:s3], $0x40  }
0x9: {  	[sflag:s3] =	ssyncset.done $0x0  }
0xa: {  	s6 =	sor.u32 $0x30, s11;
	[sflag:s3] =	ssyncadd.s32 $0xFFFFFFC0  }
0xb: {  	v5 =	vlaneseq.u32;
	s7 =	sor.u32 $0x20, s11;
	v1 =	vmov s6;
	v2 =	vld [tilespmem:$0x30]  }
0xc: {  	v0 =	vmov s11;
	s29 =	sor.u32 $0x10, s11;
	v3 =	vmov s7;
	v1 =	vmul.u32 $0xFA, v1;
	v4 =	vld [tilespmem:$0x20]  }
0xd: {  	v0 =	vmul.u32 $0xFA, v0;
	v6 =	vmov s29;
	v3 =	vmul.u32 $0xFA, v3;
	v7 =	vld [tilespmem:$0x0]  }
0xe: {  	v5 =	vmul.u32 $0xFA, v5;
	v6 =	vmul.u32 $0xFA, v6;
	v1 =	vbroadcast v1, $0x0;
	v8 =	vld [tilespmem:$0x10]  }
0xf: {  	v9 =	vbroadcast v0, $0x0;
	v3 =	vbroadcast v3, $0x0  }
0x10: {  	s30 =	ssub.s32 $0x2, s5;
	v6 =	vbroadcast v6, $0x0;
	v0 =	vadd.s32 v5, v1;
	v2 =	vshra.s32 v2, $0x7  }
0x11: {  	s31 =	sshrl.u32 s30, $0x1;
	v1 =	vadd.s32 v5, v3;
	v3 =	vshra.s32 v4, $0x7;
	v2 =	vadd.s32 v2, v0  }
0x12: {  	s12 =	ssub.s32 s30, s31;
	v4 =	vshra.s32 v7, $0x7;
	v63 =	vadd.s32 v3, v1;
	[tilespmem:$0xB0] =	vst v2;
	v2 =	vadd.s32 v5, v9  }
0x13: {  	s8 =	simm.s32 $0x80;
	s12 =	smax.u32 s12, $0x1;
	v3 =	vadd.s32 v5, v6;
	v5 =	vshra.s32 v8, $0x7;
	[tilespmem:$0xA0] =	vst v63;
	v4 =	vadd.s32 v4, v2  }
0x14: {  	s9 =	simm.s32 $0x1;
	s5 =	sadd.s32 $0xA00, s10;
	p0 =	sne.s32 s12, $0x1;
	[tilespmem:$0x80] =	vst v4;
	v4 =	vadd.s32 v5, v3  }
.Ltmp0:
0x15: {  	s6 =	simm.s32 $0x40;
	s7 =	simm.s32 $0x100;
	[tilespmem:$0x90] =	vst v4;
	(pc) =	sbr.rel @!p0 .LBB2_2-.Ltmp0, $4  }
0x16: {  	[tilespmem:s7], [sflag:$0x1] =	stream.indirect.gather [hbm4b:s5+s6], $0x80, s8, s6, $0xb8;
	[tilespmem:$0x2100] =	vst v63  }
0x17: {  	s11 =	sshll.u32 s11, $0x4;
	_ =	swait.ge [sflag:s9], $0x2000  }
0x18: {  	s10 =	sadd.s32 s11, s10;
	[sflag:s9] =	ssyncset.done $0x0  }
0x19: {  	s10 =	sadd.s32 $0x7D0A00, s10;
	s11 =	sadd.s32 $0xFFFFFFFF, s12;
	[sflag:s9] =	ssyncadd.s32 $0xFFFFE000  }
.LBB2_1:
0x1a: {  	[hbm4b:s10+s2] =	stream.linear.scatter [tilespmem:s7], [sflag:$0x2], $0x2000, $0x38;
	[tilespmem:$0x2100] =	vst v63  }
0x1b: {  	p0 =	sne.s32 s11, $0x1;
	s11 =	sadd.s32 $0xFFFFFFFF, s11;
	_ =	swait.ge [sflag:s3], $0x2000  }
0x1c: {  	[sflag:s3] =	ssyncset.done $0x0  }
0x1d: {  	[sflag:s3] =	ssyncadd.s32 $0xFFFFE000  }
0x1e: {  	[tilespmem:s2], [sflag:$0x2] =	stream.linear.gather [hbm4b:s4+s2], $0x40, $0x38;
	[tilespmem:$0x2100] =	vst v63  }
0x1f: {  	_ =	swait.ge [sflag:s3], $0x40  }
0x20: {  	[sflag:s3] =	ssyncset.done $0x0  }
0x21: {  	[sflag:s3] =	ssyncadd.s32 $0xFFFFFFC0  }
0x22: {  	v4 =	vld [tilespmem:$0x30]  }
0x23: {  	v5 =	vld [tilespmem:$0x20]  }
0x24: {  	v6 =	vld [tilespmem:$0x0]  }
0x25: {  	v7 =	vld [tilespmem:$0x10];
	_ =	sdelay $0x1  }
0x26: {  	v4 =	vshra.s32 v4, $0x7  }
0x27: {  	v5 =	vshra.s32 v5, $0x7;
	v4 =	vadd.s32 v4, v0  }
0x28: {  	v6 =	vshra.s32 v6, $0x7;
	v5 =	vadd.s32 v5, v1;
	[tilespmem:$0xB0] =	vst v4  }
0x29: {  	v4 =	vadd.s32 v6, v2;
	v6 =	vshra.s32 v7, $0x7;
	[tilespmem:$0xA0] =	vst v5  }
0x2a: {  	[tilespmem:$0x80] =	vst v4;
	v4 =	vadd.s32 v6, v3  }
.Ltmp1:
0x2b: {  	[tilespmem:$0x90] =	vst v4;
	(pc) =	sbr.rel @p0 .LBB2_1-.Ltmp1, $4  }
0x2c: {  	[tilespmem:s7], [sflag:$0x1] =	stream.indirect.gather [hbm4b:s5+s6], $0x80, s8, s6, $0xb8;
	[tilespmem:$0x2100] =	vst v63  }
0x2d: {  	_ =	swait.ge [sflag:s9], $0x2000  }
0x2e: {  	[sflag:s9] =	ssyncset.done $0x0  }
0x2f: {  	[sflag:s9] =	ssyncadd.s32 $0xFFFFE000  }
.LBB2_2:
0x30: {  	[hbm4b:s10+s2] =	stream.linear.scatter [tilespmem:s7], [sflag:$0x2], $0x2000, $0x38;
	[tilespmem:$0x2100] =	vst v63  }
0x31: {  	_ =	swait.ge [sflag:s3], $0x2000  }
0x32: {  	[sflag:s3] =	ssyncset.done $0x0  }
0x33: {  	[sflag:s3] =	ssyncadd.s32 $0xFFFFE000  }
0x34: {  	_ =	sfence.sel $0x180000  }
0x35: {  	[bflag:$0x0] =	sbarrier.arrive $0xFFFF  }
0x36: {  	p0 =	sne.s32 s0, $0x0;
	_ =	strace $0x90000047  }
0x37: {  	s0 =	sadd.s32 @!p0 $0x100000, s1;
	[bflag:$0x2] =	sbarrier.arrive $0xFFFF  }
0x38: {  	[sflag:s0] =	ssyncadd.tile.s32 @!p0 $0x1;
	_ =	shalt  }
.Lfunc_end2:
_tile_overlayer_lowered:
.L_overlay_start_2:
0x39: {  	(tag) =	ssettag $0x2  }
0x3a: {  	s0 =	rddreg [dreg:$0x0];
	s2 =	stileid.u32  }
0x3b: {  	s1 =	rddreg [dreg:$0x1];
	p0 =	sne.s32 s2, $0x0  }
0x3c: {  	s3 =	rddreg [dreg:$0x2];
	[bflag:$0x3] =	sbarrier.arrive $0xFFFF;
	s2 =	simm.s32 @!p0 $0x1C02  }
0x3d: {  	[timem:s3], [sflag:s2] =	dma.local @!p0 [hbm:s0], s1  }
0x3e: {  	s0 =	simm.s32 @!p0 $0x2  }
0x3f: {  	_ =	swait.ge @!p0 [sflag:s0], s1  }
0x40: {  	s1 =	ssub.s32 @!p0 $0x0, s1;
	[sflag:s0] =	ssyncset.done @!p0 $0x0  }
0x41: {  	[sflag:s0] =	ssyncadd.s32 @!p0 s1  }
0x42: {  	[bflag:$0x3] =	sbarrier.arrive $0xFFFF  }
0x43: {  	_ =	shalt  }

</sc_bundles>
